<compile_context>
chip_gen: v7x
topology: tpu7x:2x2x1
jax: 0.10.2.dev20260603
libtpu: 0.0.44.dev20260713+nightly
codegen_flags: <defaults>
</compile_context>

<pallas_src>
import functools

import jax
import jax.numpy as jnp
from jax.experimental import pallas as pl


def _body(f_ref, v_ref, o_ref, *, group):
    x = f_ref[...]
    v = v_ref[...]
    g = group
    lanes = x.shape[-1]
    width = lanes // g

    r128 = jax.lax.broadcasted_iota(jnp.int32, (lanes, g), 0)
    c128 = jax.lax.broadcasted_iota(jnp.int32, (lanes, g), 1)
    sum_groups = (r128 // width == c128).astype(jnp.float32)
    rv = jax.lax.broadcasted_iota(jnp.int32, (2 * g, g), 0)
    cv = jax.lax.broadcasted_iota(jnp.int32, (2 * g, g), 1)
    sum_pairs = (rv // 2 == cv).astype(jnp.float32)
    re = jax.lax.broadcasted_iota(jnp.int32, (g, lanes), 0)
    ce = jax.lax.broadcasted_iota(jnp.int32, (g, lanes), 1)
    expand = (ce // width == re).astype(jnp.float32)

    hp = jax.lax.Precision.HIGHEST
    l1 = jax.lax.dot(jnp.abs(x), sum_groups, precision=hp)
    speed = jax.lax.dot(jnp.abs(v), sum_pairs, precision=hp)
    diff = l1 / jnp.maximum(l1, 1e-6)
    gate = jnp.exp(-diff) / (1.0 + 0.25 * speed)
    scale = 1.0 - gate
    o_ref[...] = x * jax.lax.dot(scale, expand, precision=hp)


def kernel(coords, feats, vel_xy):
    del coords
    n, width = feats.shape
    lanes = 128
    group = lanes // width
    rows = n // group
    f2 = feats.reshape(rows, lanes)
    v2 = vel_xy.reshape(rows, 2 * group)

    blk = 2000
    while rows % blk:
        blk //= 2
    grid = (rows // blk,)

    out = pl.pallas_call(
        functools.partial(_body, group=group),
        grid=grid,
        in_specs=[
            pl.BlockSpec((blk, lanes), lambda i: (i, i * 0)),
            pl.BlockSpec((blk, 2 * group), lambda i: (i, i * 0)),
        ],
        out_specs=pl.BlockSpec((blk, lanes), lambda i: (i, i * 0)),
        out_shape=jax.ShapeDtypeStruct((rows, lanes), jnp.float32),
    )(f2, v2)
    return out.reshape(n, width)

# --- scband reference (transcript-rebuilt; emitter-appended) ---
"""Pipeline reference for scband-soft-advect-sparse-conservative-84585085928010 (READ-ONLY COPY).

The authoritative reference and input builder live on the scoring server;
editing this copy changes nothing except your own understanding.
"""

import jax, jax.numpy as jnp
import numpy as np
jax.config.update('jax_enable_x64', True)

MAX_SHIFT = 2.5


def _hash4(b, x, y, t):
    b = b.astype(jnp.int64); x = x.astype(jnp.int64); y = y.astype(jnp.int64); t = t.astype(jnp.int64)
    return ((b & 65535) << 48) | ((x & 65535) << 32) | ((y & 65535) << 16) | (t & 65535)


def _gather_hits(key_src_sorted, perm, key_tgt):
    n = key_src_sorted.shape[0]
    # torch.bucketize(..., right=False) == searchsorted side='left'
    pos = jnp.searchsorted(key_src_sorted, key_tgt, side='left')
    valid = (pos > 0) & (pos <= n)
    posc = jnp.clip(pos - 1, 0, n - 1)
    hit = valid & (key_src_sorted[posc] == key_tgt)
    dst = jnp.where(hit, perm[posc], -1)
    return hit, dst


def _advect_once(coords, feats, vx, vy, gain):
    b = coords[:, 0]
    xi = coords[:, 1].astype(jnp.float32)
    yi = coords[:, 2].astype(jnp.float32)
    ti = coords[:, 3].astype(jnp.float32)
    vx = jnp.clip(vx, -MAX_SHIFT, MAX_SHIFT)
    vy = jnp.clip(vy, -MAX_SHIFT, MAX_SHIFT)
    x_tgt = xi + vx
    y_tgt = yi + vy
    t1 = (ti + 1.0).astype(jnp.int64)
    x0f = jnp.floor(x_tgt); x1f = x0f + 1.0
    y0f = jnp.floor(y_tgt); y1f = y0f + 1.0
    x0 = x0f.astype(jnp.int64); x1 = x1f.astype(jnp.int64)
    y0 = y0f.astype(jnp.int64); y1 = y1f.astype(jnp.int64)
    key_src = _hash4(b, coords[:, 1], coords[:, 2], coords[:, 3])
    perm = jnp.argsort(key_src)
    key_src_sorted = key_src[perm]
    dx0 = jnp.abs(x_tgt - x0f); dx1 = jnp.abs(x_tgt - x1f)
    dy0 = jnp.abs(y_tgt - y0f); dy1 = jnp.abs(y_tgt - y1f)
    w00 = jnp.exp(-(dx0 ** 2 + dy0 ** 2))
    w10 = jnp.exp(-(dx1 ** 2 + dy0 ** 2))
    w01 = jnp.exp(-(dx0 ** 2 + dy1 ** 2))
    w11 = jnp.exp(-(dx1 ** 2 + dy1 ** 2))
    neigh = [(x0, y0, w00), (x1, y0, w10), (x0, y1, w01), (x1, y1, w11)]
    n = feats.shape[0]
    accum = jnp.zeros_like(feats)
    weight_sum_dst = jnp.zeros((n,), dtype=feats.dtype)
    stored = []
    for nx, ny, w in neigh:
        key_tgt = _hash4(b, nx, ny, t1)
        hit, dst = _gather_hits(key_src_sorted, perm, key_tgt)
        hf = hit.astype(feats.dtype)
        dst_safe = jnp.where(hit, dst, 0)
        wm = w * hf  # masked weight; zero where no hit
        weight_sum_dst = weight_sum_dst.at[dst_safe].add(wm)
        stored.append((dst_safe, wm))
    ws = jnp.maximum(weight_sum_dst, 1e-06)
    for dst_safe, wm in stored:
        norm_w = wm / ws[dst_safe]
        accum = accum.at[dst_safe].add(norm_w[:, None] * feats * gain)
    return accum


def setup_inputs(seed: int = 0) -> dict:
    key = jax.random.key(seed)
    k1, k2, k3 = jax.random.split(key, 3)
    N = 1000000
    coords = jax.random.randint(k1, (N, 4), 0, 250, dtype=jnp.int64)
    feats = jax.random.normal(k2, (N, 32), dtype=jnp.float32)
    vel_xy = jax.random.normal(k3, (N, 2), dtype=jnp.float32)
    return {'coords': coords, 'feats': feats, 'vel_xy': vel_xy}


def reference(coords, feats, vel_xy):
    gain = 1.0
    vx = vel_xy[:, 0]
    vy = vel_xy[:, 1]
    accum = _advect_once(coords, feats, vx, vy, gain)
    speed = jnp.abs(vx) + jnp.abs(vy)
    feat_l1 = jnp.maximum(jnp.sum(jnp.abs(feats), axis=1), 1e-06)
    diff = jnp.sum(jnp.abs(accum - feats), axis=1) / feat_l1
    cons_mask = jnp.exp(-diff)[:, None]
    anti_alias = (1.0 / (1.0 + 0.25 * speed))[:, None]
    gate_adv = cons_mask * anti_alias
    mixed = gate_adv * accum + (1.0 - gate_adv) * feats
    return mixed

if __name__ == "__main__":
    import jax
    _d = setup_inputs()
    print(jax.jit(kernel)(*tuple(_d.values())))

</pallas_src>

<mosaic_0001>
module attributes {stable_mosaic.version = 14 : i64} {
  func.func @_body(%arg0: i32, %arg1: memref<2000x128xf32, #tpu.memory_space<vmem>>, %arg2: memref<2000x8xf32, #tpu.memory_space<vmem>>, %arg3: memref<2000x128xf32, #tpu.memory_space<vmem>>) attributes {dimension_semantics = [#tpu.dimension_semantics<arbitrary>], iteration_bounds = array<i64: 125>, scalar_prefetch = 0 : i64, scratch_operands = 0 : i64, tpu.core_type = #tpu.core_type<tc>, window_params = [{transform_indices = @transform_0, window_bounds = array<i64: 2000, 128>}, {transform_indices = @transform_1, window_bounds = array<i64: 2000, 8>}, {transform_indices = @transform_2, window_bounds = array<i64: 2000, 128>}]} {
    %get3A = arith.constant 0 : index
    %get3A_0 = arith.constant 0 : index
    %get3A_1 = vector.load %arg1[%get3A, %get3A_0] : memref<2000x128xf32, #tpu.memory_space<vmem>>, vector<2000x128xf32>
    %get3A_2 = arith.constant 0 : index
    %get3A_3 = arith.constant 0 : index
    %get3A_4 = vector.load %arg2[%get3A_2, %get3A_3] : memref<2000x8xf32, #tpu.memory_space<vmem>>, vector<2000x8xf32>
    %iota3A = tpu.iota {dimensions = array<i32: 0>} : vector<128x4xi32>
    %iota3A_5 = tpu.iota {dimensions = array<i32: 1>} : vector<128x4xi32>
    %jit3A = arith.constant 32 : i64
    %convert_element_type3A = arith.trunci %jit3A : i64 to i32
    %div3A = vector.broadcast %convert_element_type3A : i32 to vector<128x4xi32>
    %div3A_6 = arith.divsi %iota3A, %div3A : vector<128x4xi32>
    %sign3A = arith.constant 0 : i32
    %sign3A_7 = vector.broadcast %sign3A : i32 to vector<128x4xi32>
    %sign3A_8 = arith.cmpi sgt, %iota3A, %sign3A_7 : vector<128x4xi32>
    %sign3A_9 = arith.extui %sign3A_8 : vector<128x4xi1> to vector<128x4xi32>
    %sign3A_10 = arith.constant 0 : i32
    %sign3A_11 = vector.broadcast %sign3A_10 : i32 to vector<128x4xi32>
    %sign3A_12 = arith.cmpi slt, %iota3A, %sign3A_11 : vector<128x4xi32>
    %sign3A_13 = arith.extui %sign3A_12 : vector<128x4xi1> to vector<128x4xi32>
    %sign3A_14 = arith.subi %sign3A_9, %sign3A_13 : vector<128x4xi32>
    %sign3A_15 = arith.constant 0 : i32
    %sign3A_16 = arith.cmpi sgt, %convert_element_type3A, %sign3A_15 : i32
    %sign3A_17 = arith.extui %sign3A_16 : i1 to i32
    %sign3A_18 = arith.constant 0 : i32
    %sign3A_19 = arith.cmpi slt, %convert_element_type3A, %sign3A_18 : i32
    %sign3A_20 = arith.extui %sign3A_19 : i1 to i32
    %sign3A_21 = arith.subi %sign3A_17, %sign3A_20 : i32
    %ne3A = vector.broadcast %sign3A_21 : i32 to vector<128x4xi32>
    %ne3A_22 = arith.cmpi ne, %sign3A_14, %ne3A : vector<128x4xi32>
    %rem3A = vector.broadcast %convert_element_type3A : i32 to vector<128x4xi32>
    %rem3A_23 = arith.remsi %iota3A, %rem3A : vector<128x4xi32>
    %ne3A_24 = arith.constant 0 : i32
    %ne3A_25 = vector.broadcast %ne3A_24 : i32 to vector<128x4xi32>
    %ne3A_26 = arith.cmpi ne, %rem3A_23, %ne3A_25 : vector<128x4xi32>
    %and3A = arith.andi %ne3A_22, %ne3A_26 : vector<128x4xi1>
    %sub3A = arith.constant 1 : i32
    %sub3A_27 = vector.broadcast %sub3A : i32 to vector<128x4xi32>
    %sub3A_28 = arith.subi %div3A_6, %sub3A_27 : vector<128x4xi32>
    %select_n3A = arith.select %and3A, %sub3A_28, %div3A_6 : vector<128x4xi1>, vector<128x4xi32>
    %eq3A = arith.cmpi eq, %select_n3A, %iota3A_5 : vector<128x4xi32>
    %convert_element_type3A_29 = arith.extui %eq3A : vector<128x4xi1> to vector<128x4xi32>
    %convert_element_type3A_30 = arith.sitofp %convert_element_type3A_29 : vector<128x4xi32> to vector<128x4xf32>
    %iota3A_31 = tpu.iota {dimensions = array<i32: 0>} : vector<8x4xi32>
    %iota3A_32 = tpu.iota {dimensions = array<i32: 1>} : vector<8x4xi32>
    %jit3A_33 = arith.constant 2 : i64
    %convert_element_type3A_34 = arith.trunci %jit3A_33 : i64 to i32
    %div3A_35 = vector.broadcast %convert_element_type3A_34 : i32 to vector<8x4xi32>
    %div3A_36 = arith.divsi %iota3A_31, %div3A_35 : vector<8x4xi32>
    %sign3A_37 = arith.constant 0 : i32
    %sign3A_38 = vector.broadcast %sign3A_37 : i32 to vector<8x4xi32>
    %sign3A_39 = arith.cmpi sgt, %iota3A_31, %sign3A_38 : vector<8x4xi32>
    %sign3A_40 = arith.extui %sign3A_39 : vector<8x4xi1> to vector<8x4xi32>
    %sign3A_41 = arith.constant 0 : i32
    %sign3A_42 = vector.broadcast %sign3A_41 : i32 to vector<8x4xi32>
    %sign3A_43 = arith.cmpi slt, %iota3A_31, %sign3A_42 : vector<8x4xi32>
    %sign3A_44 = arith.extui %sign3A_43 : vector<8x4xi1> to vector<8x4xi32>
    %sign3A_45 = arith.subi %sign3A_40, %sign3A_44 : vector<8x4xi32>
    %sign3A_46 = arith.constant 0 : i32
    %sign3A_47 = arith.cmpi sgt, %convert_element_type3A_34, %sign3A_46 : i32
    %sign3A_48 = arith.extui %sign3A_47 : i1 to i32
    %sign3A_49 = arith.constant 0 : i32
    %sign3A_50 = arith.cmpi slt, %convert_element_type3A_34, %sign3A_49 : i32
    %sign3A_51 = arith.extui %sign3A_50 : i1 to i32
    %sign3A_52 = arith.subi %sign3A_48, %sign3A_51 : i32
    %ne3A_53 = vector.broadcast %sign3A_52 : i32 to vector<8x4xi32>
    %ne3A_54 = arith.cmpi ne, %sign3A_45, %ne3A_53 : vector<8x4xi32>
    %rem3A_55 = vector.broadcast %convert_element_type3A_34 : i32 to vector<8x4xi32>
    %rem3A_56 = arith.remsi %iota3A_31, %rem3A_55 : vector<8x4xi32>
    %ne3A_57 = arith.constant 0 : i32
    %ne3A_58 = vector.broadcast %ne3A_57 : i32 to vector<8x4xi32>
    %ne3A_59 = arith.cmpi ne, %rem3A_56, %ne3A_58 : vector<8x4xi32>
    %and3A_60 = arith.andi %ne3A_54, %ne3A_59 : vector<8x4xi1>
    %sub3A_61 = arith.constant 1 : i32
    %sub3A_62 = vector.broadcast %sub3A_61 : i32 to vector<8x4xi32>
    %sub3A_63 = arith.subi %div3A_36, %sub3A_62 : vector<8x4xi32>
    %select_n3A_64 = arith.select %and3A_60, %sub3A_63, %div3A_36 : vector<8x4xi1>, vector<8x4xi32>
    %eq3A_65 = arith.cmpi eq, %select_n3A_64, %iota3A_32 : vector<8x4xi32>
    %convert_element_type3A_66 = arith.extui %eq3A_65 : vector<8x4xi1> to vector<8x4xi32>
    %convert_element_type3A_67 = arith.sitofp %convert_element_type3A_66 : vector<8x4xi32> to vector<8x4xf32>
    %iota3A_68 = tpu.iota {dimensions = array<i32: 0>} : vector<4x128xi32>
    %iota3A_69 = tpu.iota {dimensions = array<i32: 1>} : vector<4x128xi32>
    %jit3A_70 = arith.constant 32 : i64
    %convert_element_type3A_71 = arith.trunci %jit3A_70 : i64 to i32
    %div3A_72 = vector.broadcast %convert_element_type3A_71 : i32 to vector<4x128xi32>
    %div3A_73 = arith.divsi %iota3A_69, %div3A_72 : vector<4x128xi32>
    %sign3A_74 = arith.constant 0 : i32
    %sign3A_75 = vector.broadcast %sign3A_74 : i32 to vector<4x128xi32>
    %sign3A_76 = arith.cmpi sgt, %iota3A_69, %sign3A_75 : vector<4x128xi32>
    %sign3A_77 = arith.extui %sign3A_76 : vector<4x128xi1> to vector<4x128xi32>
    %sign3A_78 = arith.constant 0 : i32
    %sign3A_79 = vector.broadcast %sign3A_78 : i32 to vector<4x128xi32>
    %sign3A_80 = arith.cmpi slt, %iota3A_69, %sign3A_79 : vector<4x128xi32>
    %sign3A_81 = arith.extui %sign3A_80 : vector<4x128xi1> to vector<4x128xi32>
    %sign3A_82 = arith.subi %sign3A_77, %sign3A_81 : vector<4x128xi32>
    %sign3A_83 = arith.constant 0 : i32
    %sign3A_84 = arith.cmpi sgt, %convert_element_type3A_71, %sign3A_83 : i32
    %sign3A_85 = arith.extui %sign3A_84 : i1 to i32
    %sign3A_86 = arith.constant 0 : i32
    %sign3A_87 = arith.cmpi slt, %convert_element_type3A_71, %sign3A_86 : i32
    %sign3A_88 = arith.extui %sign3A_87 : i1 to i32
    %sign3A_89 = arith.subi %sign3A_85, %sign3A_88 : i32
    %ne3A_90 = vector.broadcast %sign3A_89 : i32 to vector<4x128xi32>
    %ne3A_91 = arith.cmpi ne, %sign3A_82, %ne3A_90 : vector<4x128xi32>
    %rem3A_92 = vector.broadcast %convert_element_type3A_71 : i32 to vector<4x128xi32>
    %rem3A_93 = arith.remsi %iota3A_69, %rem3A_92 : vector<4x128xi32>
    %ne3A_94 = arith.constant 0 : i32
    %ne3A_95 = vector.broadcast %ne3A_94 : i32 to vector<4x128xi32>
    %ne3A_96 = arith.cmpi ne, %rem3A_93, %ne3A_95 : vector<4x128xi32>
    %and3A_97 = arith.andi %ne3A_91, %ne3A_96 : vector<4x128xi1>
    %sub3A_98 = arith.constant 1 : i32
    %sub3A_99 = vector.broadcast %sub3A_98 : i32 to vector<4x128xi32>
    %sub3A_100 = arith.subi %div3A_73, %sub3A_99 : vector<4x128xi32>
    %select_n3A_101 = arith.select %and3A_97, %sub3A_100, %div3A_73 : vector<4x128xi1>, vector<4x128xi32>
    %eq3A_102 = arith.cmpi eq, %select_n3A_101, %iota3A_68 : vector<4x128xi32>
    %convert_element_type3A_103 = arith.extui %eq3A_102 : vector<4x128xi1> to vector<4x128xi32>
    %convert_element_type3A_104 = arith.sitofp %convert_element_type3A_103 : vector<4x128xi32> to vector<4x128xf32>
    %abs3A = math.absf %get3A_1 : vector<2000x128xf32>
    %dot_general3A = arith.constant dense<0.000000e+00> : vector<2000x4xf32>
    %dot_general3A_105 = tpu.matmul %abs3A, %convert_element_type3A_30, %dot_general3A {dimension_numbers = #tpu.dot_dimension_numbers<[1], [0], [0], [1], [0, 0, 1, 1], [], []>, precision = #tpu.contract_precision<fp32>, transpose_lhs_hint = false} : vector<2000x128xf32>, vector<128x4xf32>, vector<2000x4xf32> -> vector<2000x4xf32>
    %abs3A_106 = math.absf %get3A_4 : vector<2000x8xf32>
    %dot_general3A_107 = arith.constant dense<0.000000e+00> : vector<2000x4xf32>
    %dot_general3A_108 = tpu.matmul %abs3A_106, %convert_element_type3A_67, %dot_general3A_107 {dimension_numbers = #tpu.dot_dimension_numbers<[1], [0], [0], [1], [0, 0, 1, 1], [], []>, precision = #tpu.contract_precision<fp32>, transpose_lhs_hint = false} : vector<2000x8xf32>, vector<8x4xf32>, vector<2000x4xf32> -> vector<2000x4xf32>
    %max3A = arith.constant 9.99999997E-7 : f32
    %max3A_109 = vector.broadcast %max3A : f32 to vector<2000x4xf32>
    %max3A_110 = arith.maximumf %dot_general3A_105, %max3A_109 : vector<2000x4xf32>
    %div3A_111 = arith.divf %dot_general3A_105, %max3A_110 : vector<2000x4xf32>
    %neg3A = arith.constant 0.000000e+00 : f32
    %neg3A_112 = vector.broadcast %neg3A : f32 to vector<2000x4xf32>
    %neg3A_113 = arith.subf %neg3A_112, %div3A_111 : vector<2000x4xf32>
    %exp3A = math.exp %neg3A_113 : vector<2000x4xf32>
    %mul3A = arith.constant 2.500000e-01 : f32
    %mul3A_114 = vector.broadcast %mul3A : f32 to vector<2000x4xf32>
    %mul3A_115 = arith.mulf %mul3A_114, %dot_general3A_108 : vector<2000x4xf32>
    %add3A = arith.constant 1.000000e+00 : f32
    %add3A_116 = vector.broadcast %add3A : f32 to vector<2000x4xf32>
    %add3A_117 = arith.addf %add3A_116, %mul3A_115 : vector<2000x4xf32>
    %div3A_118 = arith.divf %exp3A, %add3A_117 : vector<2000x4xf32>
    %sub3A_119 = arith.constant 1.000000e+00 : f32
    %sub3A_120 = vector.broadcast %sub3A_119 : f32 to vector<2000x4xf32>
    %sub3A_121 = arith.subf %sub3A_120, %div3A_118 : vector<2000x4xf32>
    %dot_general3A_122 = arith.constant dense<0.000000e+00> : vector<2000x128xf32>
    %dot_general3A_123 = tpu.matmul %sub3A_121, %convert_element_type3A_104, %dot_general3A_122 {dimension_numbers = #tpu.dot_dimension_numbers<[1], [0], [0], [1], [0, 0, 1, 1], [], []>, precision = #tpu.contract_precision<fp32>, transpose_lhs_hint = false} : vector<2000x4xf32>, vector<4x128xf32>, vector<2000x128xf32> -> vector<2000x128xf32>
    %mul3A_124 = arith.mulf %get3A_1, %dot_general3A_123 : vector<2000x128xf32>
    %swap3A = arith.constant 0 : index
    %swap3A_125 = arith.constant 0 : index
    %swap3A_126 = vector.load %arg3[%swap3A, %swap3A_125] : memref<2000x128xf32, #tpu.memory_space<vmem>>, vector<2000x128xf32>
    tpu.vector_store %arg3[%swap3A, %swap3A_125], %mul3A_124 {strides = array<i32>} : memref<2000x128xf32, #tpu.memory_space<vmem>>, vector<2000x128xf32>,
    return
  }
  func.func @transform_0(%arg0: i32) -> (i32, i32) {
    %mul3A = arith.constant 0 : i32
    %mul3A_0 = arith.muli %arg0, %mul3A : i32
    %c0_i32 = arith.constant 0 : i32
    return %arg0, %mul3A_0 : i32, i32
  }
  func.func @transform_1(%arg0: i32) -> (i32, i32) {
    %mul3A = arith.constant 0 : i32
    %mul3A_0 = arith.muli %arg0, %mul3A : i32
    %c0_i32 = arith.constant 0 : i32
    return %arg0, %mul3A_0 : i32, i32
  }
  func.func @transform_2(%arg0: i32) -> (i32, i32) {
    %mul3A = arith.constant 0 : i32
    %mul3A_0 = arith.muli %arg0, %mul3A : i32
    %c0_i32 = arith.constant 0 : i32
    return %arg0, %mul3A_0 : i32, i32
  }
}

</mosaic_0001>

<sc_bundles>
// kernel: sparse-core-data-format-call.cloned.1.call-start
scs
called_computation_lowered:
.L_overlay_start_0:
0x0: {  	s2 =	sld [smem:$0x3FD9]  }
0x1: {  	s3 =	sld [smem:$0x3FFE];
	_ =	sdelay $0x1  }
0x2: {  	s1 =	srdreg.scid  }
0x3: {  	s0 =	sand.u32 $0x1, s1  }
0x4: {  	s18 =	sshll.u32 s0, $0xA;
	s2 =	sadd.s32 s3, s2  }
0x5: {  	s2 =	sadd.s32 s2, s18  }
0x6: {  	[smem:$0x3FC6] =	sst s2  }
0x7: {  	_ = 	snop  }
0x8: {  	s2 =	sld [smem:$0x3FD0];
	(tm) =	ssettm $0x1  }
0x9: {  	s19 =	sld [smem:$0x3FFB];
	_ =	sdelay $0x3  }
0xa: {  	_ =	strace s19  }
0xb: {  	s3 =	sld [smem:$0x3FFC];
	_ =	sdelay $0x3  }
0xc: {  	_ =	strace s3  }
0xd: {  	s3 =	sld [smem:$0x3FFD];
	_ =	sdelay $0x3  }
0xe: {  	_ =	strace s3  }
0xf: {  	_ =	strace $0x8FFFFFFF  }
0x10: {  	s20 =	sld [smem:$0x3FDB];
	_ =	sdelay $0x1  }
0x11: {  	s4 =	simm.s32 $_scs_section_size  }
0x12: {  	s5 =	simm.s32 $_size__tile_overlayer_lowered;
	s6 =	simm.s32 $_tile_overlayer_lowered  }
0x13: {  	s23 =	simm.s32 $0x1BFF;
	s22 =	sshll.u32 s6, $0x1;
	s3 =	sadd.s32 s4, s20  }
0x14: {  	s7 =	simm.s32 $0x0;
	s21 =	sshll.u32 s5, $0x1;
	s5 =	sadd.s32 s22, s3  }
0x15: {  	[timem:s7], [sflag:s23] =	dma.local [hbm:s5], s21  }
0x16: {  	_ =	swait.ge [sflag:s23], s21  }
0x17: {  	s4 =	ssub.s32 $0x0, s21;
	[sflag:s23] =	ssyncset.done $0x0  }
0x18: {  	[sflag:s23] =	ssyncadd.s32 s4;
	_ =	sdelay $0x1  }
0x19: {  	s24 =	simm.s32 $0x1B8B  }
0x1a: {  	_ =	swait.ge [sflag:s24], $0x1  }
0x1b: {  	[sflag:s24] =	ssyncset.done $0x0  }
0x1c: {  	s26 =	simm.s32 $0x1B8E;
	s25 =	sld [smem:$0x3FFE];
	[sflag:s24] =	ssyncadd.s32 $0xFFFFFFFF  }
0x1d: {  	s27 =	simm.s32 $execute0_lowered;
	[smem:$0x3FD2] =	sst s26  }
0x1e: {  	s5 =	sshll.u32 s27, $0x1;
	_ =	strace $0x80000046;
	[dreg:$0x1] =	wrdreg $0xFFFFFFFF  }
0x1f: {  	s28 =	simm.s32 $_size_execute0_lowered;
	s3 =	sadd.s32 s3, s5;
	[dreg:$0x0] =	wrdreg $0x0  }
0x20: {  	s5 =	sshll.u32 s28, $0x1;
	[dreg:$0x2] =	wrdreg s3  }
0x21: {  	[dreg:$0x3] =	wrdreg s5  }
0x22: {  	[dreg:$0x4] =	wrdreg $0xC0  }
0x23: {  	_ =	task [dreg:s7], $0x5FFFF  }
0x24: {  	[dreg:$0x1] =	wrdreg $0xFFFFFFFF  }
0x25: {  	[dreg:$0x0] =	wrdreg $0x60  }
0x26: {  	[dreg:$0x2] =	wrdreg s25  }
0x27: {  	[dreg:$0x3] =	wrdreg s2  }
0x28: {  	[dreg:$0x4] =	wrdreg $0x9  }
0x29: {  	_ =	task.clear_ibuf [dreg:s7], $0x5FFFF;
	_ =	strace $0x90000046  }
0x2a: {  	s29 =	simm.s32 $0x9;
	_ =	strace $0x80000048  }
0x2b: {  	_ =	swait.ge [sflag:s29], $0x1  }
0x2c: {  	[sflag:s29] =	ssyncadd.s32 $0xFFFFFFFF  }
0x2d: {  	_ =	strace $0x90000048  }
0x2e: {  	_ =	sfence  }
0x2f: {  	s30 =	sld [smem:$0x0];
	_ =	sdelay $0x2  }
0x30: {  	s31 =	sshll.u32 s1, $0xD;
	s1 =	sshrl.u32 s1, $0x2  }
0x31: {  	s3 =	sand.u32 $0x4000, s31;
	s1 =	sadd.s32 s1, s30  }
0x32: {  	s0 =	sor.u32 s3, s0;
	s1 =	sshll.u32 s1, $0x11  }
0x33: {  	s0 =	sor.u32 s1, s0  }
0x34: {  	s0 =	sadd.s32 $0x8F2B, s0  }
0x35: {  	[sflag:s0] =	ssyncadd.remote.s32 $0x1  }
0x36: {  	_ =	sfence.sel $0xFFFF  }
0x37: {  	[dreg:$0x0] =	wrdreg $0xFFFFFFFF;
	(pc) =	sbr.abs _section_cstart, $3  }
0x38: {  	[dreg:$0x1] =	wrdreg $0xFFFFFFFF  }
0x39: {  	_ =	task.clear_ibuf [dreg:s7], $0x2FFFF;
	_ =	strace $0x9FFFFFFF  }
0x3a: {  	(tm) =	ssettm $0x7FFFFFFF  }
0x3b: {  	_ =	shalt  }
tec
execute0_lowered:
.L_overlay_start_1:
0x0: {  	(tag) =	ssettag $0x1  }
0x1: {  	s4 =	rddreg [dreg:$0x0]  }
0x2: {  	s0 =	srdreg.scid;
	s2 =	rddreg [dreg:$0x1]  }
0x3: {  	s1 =	stileid.u32;
	s5 =	simm.s32 $0x1;
	s0 =	sshll.u32 s0, $0x4  }
0x4: {  	s7 =	simm.s32 $0x2;
	s11 =	simm.s32 $0x0;
	s3 =	sand.u32 $0x10, s0  }
.Ltmp0:
0x5: {  	p0 =	por $0x0, $0x0;
	s3 =	sor.u32 s1, s3;
	(pc) =	sbr.rel .LBB1_1-.Ltmp0, $4  }
0x6: {  	s8 =	simm.s32 $0x7A1400;
	s10 =	simm.s32 $0x0;
	s3 =	sshll.u32 s3, $0x7  }
0x7: {  	s0 =	rddreg [dreg:$0x2];
	_ =	strace $0x80000047;
	s6 =	ssub.s32 $0xF4200, s3  }
0x8: {  	s4 =	sadd.s32 $0x3D1000, s4;
	[sflag:s5] =	ssyncpa.u1 $0x0;
	s6 =	sshrl.u32 s6, $0xC  }
0x9: {  	[sflag:s7] =	ssyncpa.u1 $0x0;
	s9 =	smov.u32 s3;
	s7 =	sadd.s32 $0x2, s6  }
.LBB1_5:
0xa: {  	s13 =	sadd.s32 $0x1000, s9  }
0xb: {  	p2 =	sgt.s32 s13, $0xF423F  }
0xc: {  	s13 =	smov.u32 @p2 s3;
	p2 =	sne.s32 s10, s7  }
.Ltmp1:
0xd: {  	p1 =	slt.u32 s10, $0x2;
	(pc) =	sbr.rel @!p2 .LBB1_6-.Ltmp1, $4  }
0xe: {  	s12 =	simm.s32 @!p1 $0x2  }
0xf: {  	s14 =	sadd.s32 $0x1, s10;
	_ =	swait.ge @!p1 [sflag:s12], $0x1000  }
0x10: {  	s11 =	smov.u32 s9;
	p0 =	por !p0, !p0;
	[sflag:s12] =	ssyncset.done @!p1 $0x0  }
0x11: {  	s10 =	smov.u32 s14;
	s9 =	smov.u32 s13;
	[sflag:s12] =	ssyncadd.s32 @!p1 $0xFFFFF000  }
.LBB1_1:
0x12: {  	p1 =	sgt.u32 s10, s6  }
0x13: {  	s13 =	smov.u32 s9;
	p2 =	sgt.s32 @!p1 s9, $0xF41C0  }
0x14: {  	s12 =	sand.u32 @!p1 $0x1FFFFFF, s9;
	s14 =	sshra.s32 @!p1 s9, $0x1F;
	p2 =	por !p2, p1  }
0x15: {  	s15 =	smulhi.u32 @!p1 $0x218DEF5, s12;
	s14 =	sand.u32 @!p1 s14, s9;
	s13 =	simm.s32 @p2 $0xF41C0  }
0x16: {  	s13 =	ssub.s32 @!p1 s13, s14  }
0x17: {  	s14 =	sshrl.u32 @!p1 s15, $0xD;
	s13 =	sadd.s32 @!p1 $0xFFF0BE40, s13  }
0x18: {  	s15 =	sxor.u32 @!p1 $0xFFFFFFFF, s10;
	s14 =	smul.u32 @!p1 $0xF4240, s14;
	s16 =	sshll.u32 @!p1 s13, $0x7  }
0x19: {  	s15 =	sshll.u32 @!p1 s15, $0xC;
	p2 =	sgt.s32 @!p1 s13, $0x7F;
	s13 =	ssub.s32 @!p1 $0x4000, s16  }
0x1a: {  	s12 =	ssub.s32 @!p1 s12, s14;
	p2 =	por !p2, p1;
	s14 =	sand.u32 @!p1 $0x1000, s15  }
0x1b: {  	s15 =	simm.s32 @!p1 $0x20;
	s13 =	sshrl.u32 @!p1 s13, $0x2;
	s12 =	sshll.u32 @!p1 s12, $0x4  }
0x1c: {  	s16 =	simm.s32 @!p1 $0x80;
	s13 =	simm.s32 @!p2 $0x0;
	s12 =	sadd.s32 @!p1 s4, s12  }
0x1d: {  	[tilespmem:s14], [sflag:$0x1] =	stream.strided.gather @!p1 [hbm4b:s12+s15], s13, s16, s15, $0x38;
	[tilespmem:$0x4040] =	vst v63  }
0x1e: {  	p1 =	seq.s32 s10, $0x0  }
0x1f: {  	p2 =	sge.u32 @!p1 s10, s7  }
0x20: {  	p1 =	por p1, p2  }
.Ltmp2:
0x21: {  	_ = 	snop;
	(pc) =	sbr.rel @p1 .LBB1_5-.Ltmp2, $1  }
0x22: {  	_ =	sdelay $0x3  }
0x23: {  	p1 =	sgt.s32 s11, $0xF41C0;
	s12 =	smov.u32 s11;
	s13 =	sshra.s32 s11, $0x1F  }
0x24: {  	s12 =	simm.s32 @!p1 $0xF41C0;
	s13 =	sand.u32 s13, s11  }
0x25: {  	s12 =	ssub.s32 s12, s13  }
0x26: {  	s12 =	sadd.s32 $0xFFF0BE40, s12  }
0x27: {  	s28 =	sshll.u32 s12, $0x7  }
0x28: {  	s13 =	ssub.s32 $0x4000, s28  }
0x29: {  	p1 =	sgt.s32 s12, $0x7F;
	s12 =	sshrl.u32 s13, $0x2  }
0x2a: {  	s13 =	simm.s32 $0x1;
	s12 =	simm.s32 @p1 $0x0  }
0x2b: {  	s13 =	simm.s32 @!p0 $0x0;
	_ =	swait.ge [sflag:s5], s12  }
0x2c: {  	s14 =	sshll.u32 s13, $0xC;
	s12 =	ssub.s32 $0x0, s12;
	[sflag:s5] =	ssyncset.done $0x0  }
0x2d: {  	s16 =	sor.u32 $0x10, s14;
	[sflag:s5] =	ssyncadd.s32 s12  }
0x2e: {  	s29 =	smul.u32 $0x4080, s13;
	v1 =	vld [tilespmem:s16+$0x0]  }
0x2f: {  	s30 =	sand.u32 $0x1, s10;
	v0 =	vld [tilespmem:s16+$0xFFFFFFF0]  }
0x30: {  	s13 =	smul.u32 $0x4080, s30;
	s12 =	sshrl.u32 s29, $0x2  }
0x31: {  	s14 =	sor.u32 $0x2000, s12  }
0x32: {  	s31 =	sshrl.u32 s13, $0x2;
	s13 =	sadd.s32 $0x0, s14  }
0x33: {  	s15 =	simm.s32 $0x4;
	s12 =	sor.u32 $0x2000, s31;
	s16 =	sadd.s32 $0x20, s16;
	[tilespmem:s13+$0x810 ss:$0x81] =	vst.msk $0xffff, v1  }
.LBB1_3:
0x34: {  	v1 =	vld [tilespmem:s16+$0x0];
	p1 =	sne.s32 s15, $0x1FC;
	[tilespmem:s13+$0x0 ss:$0x81] =	vst.msk $0xffff, v0;
	s13 =	smov.u32 s15;
	s15 =	sadd.s32 $0x4, s15  }
.Ltmp3:
0x35: {  	v0 =	vld [tilespmem:s16+$0xFFFFFFF0];
	(pc) =	sbr.rel @p1 .LBB1_3-.Ltmp3, $4  }
0x36: {  	_ = 	snop  }
0x37: {  	s13 =	sshra.s32 s13, $0x2  }
0x38: {  	s13 =	sadd.s32 s13, s14  }
0x39: {  	s16 =	sadd.s32 $0x20, s16;
	[tilespmem:s13+$0x810 ss:$0x81] =	vst.msk $0xffff, v1  }
0x3a: {  	s14 =	sshll.u32 s11, $0x3  }
0x3b: {  	s30 =	sand.u32 $0x7F, s11;
	s14 =	sand.u32 $0xFFFFFC00, s14  }
0x3c: {  	s11 =	sor.u32 s30, s14  }
0x3d: {  	s15 =	smulhi.u32 $0x218D6287, s11;
	_ =	sdelay $0x1  }
0x3e: {  	s14 =	smulhi.u32 $0x218D6287, s14;
	s15 =	sshrl.u32 s15, $0x11  }
0x3f: {  	s15 =	smul.u32 $0xF4280, s15  }
0x40: {  	s14 =	sshrl.u32 s14, $0x11  }
.Ltmp4:
0x41: {  	s14 =	sand.u32 $0x1F, s14;
	s11 =	ssub.s32 s11, s15;
	(pc) =	sbr.rel .LBB1_5-.Ltmp4, $4  }
0x42: {  	s14 =	smul.u32 $0x1E850, s14;
	s15 =	sshrl.u32 s11, $0x3;
	s11 =	sand.u32 $0x7, s11  }
0x43: {  	s15 =	sadd.s32 s2, s15;
	s11 =	sshll.u32 s11, $0x12  }
0x44: {  	[tilespmem:s13+$0x0 ss:$0x81] =	vst.msk $0xffff, v0;
	s31 =	sadd.s32 s14, s15;
	s11 =	sor.u32 $0x400, s11  }
0x45: {  	[hbm4b:s31+s11] =	stream.strided.scatter [tilespmem:s12], [sflag:$0x2], $0x1000, s8, s11, $0x20;
	[tilespmem:$0x4040] =	vst v63  }
.LBB1_6:
0x46: {  	_ =	sfence.sel $0x180000  }
0x47: {  	s2 =	simm.s32 $0x1;
	[bflag:$0x0] =	sbarrier.arrive $0xFFFF  }
0x48: {  	s31 =	simm.s32 $0x2;
	[sflag:s2] =	ssyncpa.u1 $0x1  }
0x49: {  	[sflag:s31] =	ssyncpa.u1 $0x1  }
0x4a: {  	p0 =	sne.s32 s1, $0x0;
	_ =	strace $0x90000047  }
0x4b: {  	s0 =	sadd.s32 @!p0 $0x100000, s0;
	[bflag:$0x2] =	sbarrier.arrive $0xFFFF  }
0x4c: {  	[sflag:s0] =	ssyncadd.tile.s32 @!p0 $0x1;
	_ =	shalt  }
.Lfunc_end1:
_tile_overlayer_lowered:
.L_overlay_start_2:
0x4d: {  	(tag) =	ssettag $0x2  }
0x4e: {  	s0 =	rddreg [dreg:$0x0];
	s2 =	stileid.u32  }
0x4f: {  	s1 =	rddreg [dreg:$0x1];
	p0 =	sne.s32 s2, $0x0  }
0x50: {  	s3 =	rddreg [dreg:$0x2];
	[bflag:$0x3] =	sbarrier.arrive $0xFFFF;
	s2 =	simm.s32 @!p0 $0x1C01  }
0x51: {  	[timem:s3], [sflag:s2] =	dma.local @!p0 [hbm:s0], s1  }
0x52: {  	s0 =	simm.s32 @!p0 $0x1  }
0x53: {  	_ =	swait.ge @!p0 [sflag:s0], s1  }
0x54: {  	s1 =	ssub.s32 @!p0 $0x0, s1;
	[sflag:s0] =	ssyncset.done @!p0 $0x0  }
0x55: {  	[sflag:s0] =	ssyncadd.s32 @!p0 s1  }
0x56: {  	[bflag:$0x3] =	sbarrier.arrive $0xFFFF  }
0x57: {  	_ =	shalt  }

</sc_bundles>
